<compile_context>
chip_gen: v7x
topology: tpu7x:2x2x1
jax: 0.10.2.dev20260603
libtpu: 0.0.44.dev20260713+nightly
codegen_flags: <defaults>
</compile_context>

<pallas_src>
import functools

import jax
import jax.numpy as jnp
from jax import lax
from jax.experimental import pallas as pl
from jax.experimental.pallas import tpu as pltpu
from jax.experimental.pallas import tpu_sc as plsc

N_NODES = 10000
N_EDGES = 320000
D = 128

NC = 2
NS = 16
NW = NC * NS
EPW = N_EDGES // NW
C = 80
NCH = EPW // C
NPAD = 10112
RPS = NPAD // NS

ROW_BLK = 1000
GRID = N_NODES // ROW_BLK


HROWS = N_NODES // 2
EHALF = N_EDGES // 2


def _prep_body(u_ref, i_ref, n_ref, hn_ref):
    hn_ref[pl.ds(0, HROWS)] = u_ref[...] * n_ref[pl.ds(0, HROWS)]
    hn_ref[pl.ds(HROWS, HROWS)] = i_ref[...] * n_ref[pl.ds(HROWS, HROWS)]


def _prep(user, item, norm):
    return pl.pallas_call(
        _prep_body,
        out_shape=jax.ShapeDtypeStruct((N_NODES, D), jnp.float32),
    )(user, item, norm)


CK = 128
NCHT = N_EDGES // CK
GMAX = (NCHT + NW - 1) // NW
NB = 2


def _sc_body(hn_hbm, e_hbm, z_hbm, out_hbm, *scratch):
    ebuf = scratch[0:NB]
    rbuf = scratch[NB:2 * NB]
    acc_sh = scratch[2 * NB]
    semi = scratch[2 * NB + 1:2 * NB + 1 + NB]
    semg = scratch[2 * NB + 1 + NB:2 * NB + 1 + 2 * NB]

    cid = lax.axis_index("c")
    sid = lax.axis_index("s")
    wid = sid * NC + cid

    def chunk(g):
        return wid + g * NW

    def iload(g, b):
        pltpu.async_copy(e_hbm.at[:, pl.ds(chunk(g) * CK, CK)], ebuf[b], semi[b])

    def iwait(g, b):
        pltpu.make_async_copy(e_hbm.at[:, pl.ds(chunk(g) * CK, CK)], ebuf[b],
                              semi[b]).wait()

    def gather(b):
        pltpu.async_copy(hn_hbm.at[ebuf[b].at[0]], rbuf[b], semg[b])

    def gwait(b):
        pltpu.make_async_copy(hn_hbm.at[ebuf[b].at[0]], rbuf[b], semg[b]).wait()

    def scatter(b):
        pltpu.sync_copy(rbuf[b], acc_sh.at[ebuf[b].at[1]], add=True)

    for b in range(NB):
        iload(b, b)
    for b in range(NB):
        iwait(b, b)
        gather(b)

    pltpu.sync_copy(z_hbm, acc_sh.at[pl.ds(sid * RPS, RPS)])
    plsc.subcore_barrier()

    def body(gg, _):
        g0 = gg * NB
        for b in range(NB):
            @pl.when(chunk(g0 + b) < NCHT)
            def _(b=b):
                gwait(b)
                scatter(b)

            @pl.when(chunk(g0 + NB + b) < NCHT)
            def _(b=b):
                iload(g0 + NB + b, b)

        for b in range(NB):
            @pl.when(chunk(g0 + NB + b) < NCHT)
            def _(b=b):
                iwait(g0 + NB + b, b)
                gather(b)

        return 0

    lax.fori_loop(0, (GMAX + NB - 1) // NB, body, 0)

    plsc.subcore_barrier()
    pltpu.sync_copy(acc_sh.at[pl.ds(sid * RPS, RPS)],
                    out_hbm.at[cid, pl.ds(sid * RPS, RPS)])


@functools.cache
def _get_sc_segsum():
    return pl.kernel(
        _sc_body,
        out_type=jax.ShapeDtypeStruct((NC, NPAD, D), jnp.float32),
        mesh=plsc.VectorSubcoreMesh(core_axis_name="c", subcore_axis_name="s",
                                    num_cores=NC, num_subcores=NS),
        scratch_types=(
            [pltpu.VMEM((2, CK), jnp.int32)] * NB
            + [pltpu.VMEM((CK, D), jnp.float32)] * NB
            + [pltpu.VMEM_SHARED((NPAD, D), jnp.float32)]
            + [pltpu.SemaphoreType.DMA] * (2 * NB)
        ),
    )


def _epi_body(ap_ref, u_ref, i_ref, n_ref, w1_ref, w2_ref, o_ref):
    h = jnp.where(pl.program_id(0) < 1, u_ref[...], i_ref[...])
    an = (ap_ref[0] + ap_ref[1]) * n_ref[...]
    m = (jnp.dot(an + h, w1_ref[...], preferred_element_type=jnp.float32)
         + jnp.dot(an * h, w2_ref[...], preferred_element_type=jnp.float32))
    m = jnp.where(m >= 0, m, 0.2 * m)
    nrm = jnp.sqrt(jnp.sum(m * m, axis=1, keepdims=True))
    o_ref[...] = m / jnp.maximum(nrm, 1e-12)


def _epilogue(parts, user, item, norm, W1, W2):
    return pl.pallas_call(
        _epi_body,
        grid=(2,),
        in_specs=[
            pl.BlockSpec((NC, HROWS, D), lambda i: (0, i, 0)),
            pl.BlockSpec((HROWS, D), lambda i: (0, 0)),
            pl.BlockSpec((HROWS, D), lambda i: (0, 0)),
            pl.BlockSpec((HROWS, 1), lambda i: (i, 0)),
            pl.BlockSpec((D, D), lambda i: (0, 0)),
            pl.BlockSpec((D, D), lambda i: (0, 0)),
        ],
        out_specs=pl.BlockSpec((HROWS, D), lambda i: (i, 0)),
        out_shape=jax.ShapeDtypeStruct((N_NODES, D), jnp.float32),
    )(parts, user, item, norm, W1, W2)


def kernel(user_embedding, item_embedding, edge_index, norm, W1, W2):
    hn = _prep(user_embedding, item_embedding, norm)
    zeros = jnp.zeros((RPS, D), jnp.float32)
    parts = _get_sc_segsum()(hn, edge_index, zeros)
    return _epilogue(parts, user_embedding, item_embedding, norm, W1, W2)

# --- scband reference (transcript-rebuilt; emitter-appended) ---
"""Pipeline reference for scband-ngcflayer-4063039062696 (READ-ONLY COPY).

The authoritative reference and input builder live on the scoring server;
editing this copy changes nothing except your own understanding.
"""

import jax, jax.numpy as jnp
import numpy as np

N_USERS = 5000
N_ITEMS = 5000
N_NODES = N_USERS + N_ITEMS
N_EDGES = 320000
D_IN = 128
D_OUT = 128


def setup_inputs(seed: int = 0) -> dict:
    key = jax.random.key(seed)
    k1, k2, k3, k4, k5, k6 = jax.random.split(key, 6)
    user_embedding = jax.random.normal(k1, (N_USERS, D_IN), dtype=jnp.float32)
    item_embedding = jax.random.normal(k2, (N_ITEMS, D_IN), dtype=jnp.float32)
    edge_index = jax.random.randint(k3, (2, N_EDGES), 0, N_NODES, dtype=jnp.int32)
    norm = jax.random.uniform(k4, (N_NODES, 1), dtype=jnp.float32)
    # xavier_uniform init for W1, W2 (nn.Linear weight [out, in]; we store [in, out])
    limit = float(np.sqrt(6.0 / (D_IN + D_OUT)))
    W1 = jax.random.uniform(k5, (D_IN, D_OUT), minval=-limit, maxval=limit, dtype=jnp.float32)
    W2 = jax.random.uniform(k6, (D_IN, D_OUT), minval=-limit, maxval=limit, dtype=jnp.float32)
    return {
        "user_embedding": user_embedding,
        "item_embedding": item_embedding,
        "edge_index": edge_index,
        "norm": norm,
        "W1": W1,
        "W2": W2,
    }


def reference(user_embedding, item_embedding, edge_index, norm, W1, W2):
    # g.ndata['h'] = cat([user_embedding, item_embedding], dim=0)
    h = jnp.concatenate([user_embedding, item_embedding], axis=0)
    src = edge_index[0]
    dst = edge_index[1]
    # message: W1(h_src) + W2(h_src * h_dst), scaled by norm_src * norm_dst
    h_src = jnp.take(h, src, axis=0)
    h_dst = jnp.take(h, dst, axis=0)
    e = h_src @ W1 + (h_src * h_dst) @ W2
    n_src = jnp.take(norm, src, axis=0)
    n_dst = jnp.take(norm, dst, axis=0)
    e = e * (n_src * n_dst)
    # fn.sum(msg='e', out='m'): scatter-add over destination nodes
    m = jax.ops.segment_sum(e, dst, num_segments=N_NODES)
    # m = m + W1(h)  (self connection)
    m = m + h @ W1
    # leaky_relu(negative_slope=0.2)
    out = jnp.where(m >= 0, m, 0.2 * m)
    # dropout p=0.0 -> identity (eval)
    # F.normalize(h, p=2, dim=1) with eps=1e-12
    nrm = jnp.linalg.norm(out, axis=1, keepdims=True)
    out = out / jnp.maximum(nrm, 1e-12)
    return out

if __name__ == "__main__":
    import jax
    _d = setup_inputs()
    print(jax.jit(kernel)(*tuple(_d.values())))

</pallas_src>

<mosaic_0001>
#map = affine_map<(d0, d1) -> (0, 0)>
#map1 = affine_map<(d0, d1) -> (0, 0, 0)>
module attributes {stable_mosaic.version = 14 : i64} {
  func.func @_sc_body(%arg0: i32, %arg1: i32, %arg2: memref<10000x128xf32, #tpu.memory_space<hbm>>, %arg3: memref<2x320000xi32, #tpu.memory_space<hbm>>, %arg4: memref<632x128xf32, #tpu.memory_space<hbm>>, %arg5: memref<2x10112x128xf32, #tpu.memory_space<hbm>>, %arg6: memref<2x128xi32, #tpu.memory_space<vmem>>, %arg7: memref<2x128xi32, #tpu.memory_space<vmem>>, %arg8: memref<128x128xf32, #tpu.memory_space<vmem>>, %arg9: memref<128x128xf32, #tpu.memory_space<vmem>>, %arg10: memref<10112x128xf32, #tpu.memory_space<vmem_shared>>, %arg11: memref<!tpu.dma_semaphore, #tpu.memory_space<semaphore_mem>>, %arg12: memref<!tpu.dma_semaphore, #tpu.memory_space<semaphore_mem>>, %arg13: memref<!tpu.dma_semaphore, #tpu.memory_space<semaphore_mem>>, %arg14: memref<!tpu.dma_semaphore, #tpu.memory_space<semaphore_mem>>) attributes {dimension_semantics = [#tpu.dimension_semantics<core_parallel>, #tpu.dimension_semantics<subcore_parallel>], iteration_bounds = array<i64: 2, 16>, scalar_prefetch = 0 : i64, scratch_operands = 9 : i64, tpu.core_type = #tpu.core_type<sc_vector_subcore>, window_params = [{transform_indices = #map}, {transform_indices = #map}, {transform_indices = #map}, {transform_indices = #map1}]} {
    %mul3A = arith.constant 2 : i32
    %mul3A_0 = arith.muli %arg1, %mul3A : i32
    %add3A = arith.addi %mul3A_0, %arg0 : i32
    %add3A_1 = arith.constant 0 : i32
    %add3A_2 = arith.addi %add3A, %add3A_1 : i32
    %mul3A_3 = arith.constant 128 : i32
    %mul3A_4 = arith.muli %add3A_2, %mul3A_3 : i32
    %dma_start3A = arith.constant 0 : i32
    %dma_start3A_5 = tpu.memref_slice %arg3[%dma_start3A, %mul3A_4] : memref<2x320000xi32, #tpu.memory_space<hbm>> -> memref<2x128xi32, #tpu.memory_space<hbm>>
    %dma_start3A_6 = arith.constant 0 : i32
    %dma_start3A_7 = tpu.memref_slice %arg3[%dma_start3A_6, %mul3A_4] : memref<2x320000xi32, #tpu.memory_space<hbm>> -> memref<2x128xi32, #tpu.memory_space<hbm>>
    tpu.enqueue_dma source(%dma_start3A_7 : memref<2x128xi32, #tpu.memory_space<hbm>>) target(%arg6 : memref<2x128xi32, #tpu.memory_space<vmem>>) target_semaphore(%arg11 : memref<!tpu.dma_semaphore, #tpu.memory_space<semaphore_mem>>)
    %add3A_8 = arith.constant 32 : i32
    %add3A_9 = arith.addi %add3A, %add3A_8 : i32
    %mul3A_10 = arith.constant 128 : i32
    %mul3A_11 = arith.muli %add3A_9, %mul3A_10 : i32
    %dma_start3A_12 = arith.constant 0 : i32
    %dma_start3A_13 = tpu.memref_slice %arg3[%dma_start3A_12, %mul3A_11] : memref<2x320000xi32, #tpu.memory_space<hbm>> -> memref<2x128xi32, #tpu.memory_space<hbm>>
    %dma_start3A_14 = arith.constant 0 : i32
    %dma_start3A_15 = tpu.memref_slice %arg3[%dma_start3A_14, %mul3A_11] : memref<2x320000xi32, #tpu.memory_space<hbm>> -> memref<2x128xi32, #tpu.memory_space<hbm>>
    tpu.enqueue_dma source(%dma_start3A_15 : memref<2x128xi32, #tpu.memory_space<hbm>>) target(%arg7 : memref<2x128xi32, #tpu.memory_space<vmem>>) target_semaphore(%arg12 : memref<!tpu.dma_semaphore, #tpu.memory_space<semaphore_mem>>)
    %add3A_16 = arith.constant 0 : i32
    %add3A_17 = arith.addi %add3A, %add3A_16 : i32
    %mul3A_18 = arith.constant 128 : i32
    %mul3A_19 = arith.muli %add3A_17, %mul3A_18 : i32
    %dma_wait3A = arith.constant 0 : i32
    %dma_wait3A_20 = tpu.memref_slice %arg3[%dma_wait3A, %mul3A_19] : memref<2x320000xi32, #tpu.memory_space<hbm>> -> memref<2x128xi32, #tpu.memory_space<hbm>>
    %dma_wait3A_21 = arith.constant 0 : i32
    %dma_wait3A_22 = tpu.memref_slice %arg3[%dma_wait3A_21, %mul3A_19] : memref<2x320000xi32, #tpu.memory_space<hbm>> -> memref<2x128xi32, #tpu.memory_space<hbm>>
    tpu.wait_dma2 semaphore(%arg11 : memref<!tpu.dma_semaphore, #tpu.memory_space<semaphore_mem>>) src(%dma_wait3A_22 : memref<2x128xi32, #tpu.memory_space<hbm>>) dst(%arg6 : memref<2x128xi32, #tpu.memory_space<vmem>>)
    %dma_start3A_23 = arith.constant 0 : i32
    %dma_start3A_24 = arith.constant 0 : i32
    %dma_start3A_25 = tpu.memref_slice %arg6[%dma_start3A_23, %dma_start3A_24] : memref<2x128xi32, #tpu.memory_space<vmem>> -> memref<1x128xi32, #tpu.memory_space<vmem>>
    %dma_start3A_26 = tpu.memref_squeeze %dma_start3A_25 : memref<1x128xi32, #tpu.memory_space<vmem>> -> memref<128xi32, #tpu.memory_space<vmem>>
    %dma_start3A_27 = arith.constant 0 : i32
    %dma_start3A_28 = arith.constant 0 : i32
    %dma_start3A_29 = tpu.memref_slice %arg2[%dma_start3A_27, %dma_start3A_28] : memref<10000x128xf32, #tpu.memory_space<hbm>> -> memref<10000x128xf32, #tpu.memory_space<hbm>>
    tpu.enqueue_indirect_dma source(%dma_start3A_29 : memref<10000x128xf32, #tpu.memory_space<hbm>>) target(%arg8 : memref<128x128xf32, #tpu.memory_space<vmem>>) offsets(%dma_start3A_26 : memref<128xi32, #tpu.memory_space<vmem>>) semaphore(%arg13 : memref<!tpu.dma_semaphore, #tpu.memory_space<semaphore_mem>>)
    %add3A_30 = arith.constant 32 : i32
    %add3A_31 = arith.addi %add3A, %add3A_30 : i32
    %mul3A_32 = arith.constant 128 : i32
    %mul3A_33 = arith.muli %add3A_31, %mul3A_32 : i32
    %dma_wait3A_34 = arith.constant 0 : i32
    %dma_wait3A_35 = tpu.memref_slice %arg3[%dma_wait3A_34, %mul3A_33] : memref<2x320000xi32, #tpu.memory_space<hbm>> -> memref<2x128xi32, #tpu.memory_space<hbm>>
    %dma_wait3A_36 = arith.constant 0 : i32
    %dma_wait3A_37 = tpu.memref_slice %arg3[%dma_wait3A_36, %mul3A_33] : memref<2x320000xi32, #tpu.memory_space<hbm>> -> memref<2x128xi32, #tpu.memory_space<hbm>>
    tpu.wait_dma2 semaphore(%arg12 : memref<!tpu.dma_semaphore, #tpu.memory_space<semaphore_mem>>) src(%dma_wait3A_37 : memref<2x128xi32, #tpu.memory_space<hbm>>) dst(%arg7 : memref<2x128xi32, #tpu.memory_space<vmem>>)
    %dma_start3A_38 = arith.constant 0 : i32
    %dma_start3A_39 = arith.constant 0 : i32
    %dma_start3A_40 = tpu.memref_slice %arg7[%dma_start3A_38, %dma_start3A_39] : memref<2x128xi32, #tpu.memory_space<vmem>> -> memref<1x128xi32, #tpu.memory_space<vmem>>
    %dma_start3A_41 = tpu.memref_squeeze %dma_start3A_40 : memref<1x128xi32, #tpu.memory_space<vmem>> -> memref<128xi32, #tpu.memory_space<vmem>>
    %dma_start3A_42 = arith.constant 0 : i32
    %dma_start3A_43 = arith.constant 0 : i32
    %dma_start3A_44 = tpu.memref_slice %arg2[%dma_start3A_42, %dma_start3A_43] : memref<10000x128xf32, #tpu.memory_space<hbm>> -> memref<10000x128xf32, #tpu.memory_space<hbm>>
    tpu.enqueue_indirect_dma source(%dma_start3A_44 : memref<10000x128xf32, #tpu.memory_space<hbm>>) target(%arg9 : memref<128x128xf32, #tpu.memory_space<vmem>>) offsets(%dma_start3A_41 : memref<128xi32, #tpu.memory_space<vmem>>) semaphore(%arg14 : memref<!tpu.dma_semaphore, #tpu.memory_space<semaphore_mem>>)
    %mul3A_45 = arith.constant 632 : i32
    %mul3A_46 = arith.muli %arg1, %mul3A_45 : i32
    "tpu.region"() ({
      %run_scoped3A = tpu.sem_alloc : memref<!tpu.dma_semaphore, #tpu.memory_space<semaphore_mem>>
      %dma_start3A_58 = arith.constant 0 : i32
      %dma_start3A_59 = tpu.memref_slice %arg10[%mul3A_46, %dma_start3A_58] : memref<10112x128xf32, #tpu.memory_space<vmem_shared>> -> memref<632x128xf32, #tpu.memory_space<vmem_shared>>
      tpu.enqueue_dma source(%arg4 : memref<632x128xf32, #tpu.memory_space<hbm>>) target(%dma_start3A_59 : memref<632x128xf32, #tpu.memory_space<vmem_shared>>) target_semaphore(%run_scoped3A : memref<!tpu.dma_semaphore, #tpu.memory_space<semaphore_mem>>)
      %dma_wait3A_60 = arith.constant 0 : i32
      %dma_wait3A_61 = tpu.memref_slice %arg10[%mul3A_46, %dma_wait3A_60] : memref<10112x128xf32, #tpu.memory_space<vmem_shared>> -> memref<632x128xf32, #tpu.memory_space<vmem_shared>>
      tpu.wait_dma2 semaphore(%run_scoped3A : memref<!tpu.dma_semaphore, #tpu.memory_space<semaphore_mem>>) src(%arg4 : memref<632x128xf32, #tpu.memory_space<hbm>>) dst(%dma_wait3A_61 : memref<632x128xf32, #tpu.memory_space<vmem_shared>>)
      tpu.yield
    }) : () -> ()
    %barrier3A = arith.constant 0 : index
    tpu.barrier barrier_id(%barrier3A)
    %scan3A = arith.constant 0 : i32
    %scan3A_47 = arith.constant 0 : i32
    %scan3A_48 = arith.constant 40 : i32
    %scan3A_49 = arith.addi %scan3A_47, %scan3A_48 : i32
    %scan3A_50 = arith.constant 1 : i32
    %scan3A_51 = scf.for %scan3A_58 = %scan3A_47 to %scan3A_49 step %scan3A_50 iter_args(%scan3A_59 = %scan3A) -> (i32)  : i32 {
      %mul3A_60 = arith.constant 2 : i32
      %mul3A_61 = arith.muli %scan3A_58, %mul3A_60 : i32
      %add3A_62 = arith.constant 0 : i32
      %add3A_63 = arith.addi %mul3A_61, %add3A_62 : i32
      %mul3A_64 = arith.constant 32 : i32
      %mul3A_65 = arith.muli %add3A_63, %mul3A_64 : i32
      %add3A_66 = arith.addi %add3A, %mul3A_65 : i32
      %lt3A = arith.constant 2500 : i32
      %lt3A_67 = arith.cmpi slt, %add3A_66, %lt3A : i32
      %convert_element_type3A = arith.extui %lt3A_67 : i1 to i32
      %cond3A = arith.constant 0 : i32
      %cond3A_68 = arith.cmpi ne, %convert_element_type3A, %cond3A : i32
      scf.if %cond3A_68 {
        %dma_wait3A_128 = arith.constant 0 : i32
        %dma_wait3A_129 = arith.constant 0 : i32
        %dma_wait3A_130 = tpu.memref_slice %arg6[%dma_wait3A_128, %dma_wait3A_129] : memref<2x128xi32, #tpu.memory_space<vmem>> -> memref<1x128xi32, #tpu.memory_space<vmem>>
        %dma_wait3A_131 = tpu.memref_squeeze %dma_wait3A_130 : memref<1x128xi32, #tpu.memory_space<vmem>> -> memref<128xi32, #tpu.memory_space<vmem>>
        %dma_wait3A_132 = arith.constant 0 : i32
        %dma_wait3A_133 = arith.constant 0 : i32
        %dma_wait3A_134 = tpu.memref_slice %arg2[%dma_wait3A_132, %dma_wait3A_133] : memref<10000x128xf32, #tpu.memory_space<hbm>> -> memref<10000x128xf32, #tpu.memory_space<hbm>>
        tpu.wait_indirect_dma semaphore(%arg13 : memref<!tpu.dma_semaphore, #tpu.memory_space<semaphore_mem>>) src(%dma_wait3A_134 : memref<10000x128xf32, #tpu.memory_space<hbm>>) dst(%arg8 : memref<128x128xf32, #tpu.memory_space<vmem>>)
        %run_scoped3A = arith.constant 1 : i32
        "tpu.region"() ({
          %run_scoped3A_135 = tpu.sem_alloc : memref<!tpu.dma_semaphore, #tpu.memory_space<semaphore_mem>>
          %dma_start3A_136 = arith.constant 0 : i32
          %dma_start3A_137 = tpu.memref_slice %arg6[%run_scoped3A, %dma_start3A_136] : memref<2x128xi32, #tpu.memory_space<vmem>> -> memref<1x128xi32, #tpu.memory_space<vmem>>
          %dma_start3A_138 = tpu.memref_squeeze %dma_start3A_137 : memref<1x128xi32, #tpu.memory_space<vmem>> -> memref<128xi32, #tpu.memory_space<vmem>>
          %dma_start3A_139 = arith.constant 0 : i32
          %dma_start3A_140 = arith.constant 0 : i32
          %dma_start3A_141 = tpu.memref_slice %arg10[%dma_start3A_139, %dma_start3A_140] : memref<10112x128xf32, #tpu.memory_space<vmem_shared>> -> memref<10112x128xf32, #tpu.memory_space<vmem_shared>>
          tpu.enqueue_indirect_dma source(%arg8 : memref<128x128xf32, #tpu.memory_space<vmem>>) target(%dma_start3A_141 : memref<10112x128xf32, #tpu.memory_space<vmem_shared>>) offsets(%dma_start3A_138 : memref<128xi32, #tpu.memory_space<vmem>>) semaphore(%run_scoped3A_135 : memref<!tpu.dma_semaphore, #tpu.memory_space<semaphore_mem>>) {add = true}
          %dma_wait3A_142 = arith.constant 0 : i32
          %dma_wait3A_143 = tpu.memref_slice %arg6[%run_scoped3A, %dma_wait3A_142] : memref<2x128xi32, #tpu.memory_space<vmem>> -> memref<1x128xi32, #tpu.memory_space<vmem>>
          %dma_wait3A_144 = tpu.memref_squeeze %dma_wait3A_143 : memref<1x128xi32, #tpu.memory_space<vmem>> -> memref<128xi32, #tpu.memory_space<vmem>>
          %dma_wait3A_145 = arith.constant 0 : i32
          %dma_wait3A_146 = arith.constant 0 : i32
          %dma_wait3A_147 = tpu.memref_slice %arg10[%dma_wait3A_145, %dma_wait3A_146] : memref<10112x128xf32, #tpu.memory_space<vmem_shared>> -> memref<10112x128xf32, #tpu.memory_space<vmem_shared>>
          tpu.wait_indirect_dma semaphore(%run_scoped3A_135 : memref<!tpu.dma_semaphore, #tpu.memory_space<semaphore_mem>>) src(%arg8 : memref<128x128xf32, #tpu.memory_space<vmem>>) dst(%dma_wait3A_147 : memref<10112x128xf32, #tpu.memory_space<vmem_shared>>)
          tpu.yield
        }) : () -> ()
      } else {
      }
      %add3A_69 = arith.constant 2 : i32
      %add3A_70 = arith.addi %mul3A_61, %add3A_69 : i32
      %add3A_71 = arith.constant 0 : i32
      %add3A_72 = arith.addi %add3A_70, %add3A_71 : i32
      %mul3A_73 = arith.constant 32 : i32
      %mul3A_74 = arith.muli %add3A_72, %mul3A_73 : i32
      %add3A_75 = arith.addi %add3A, %mul3A_74 : i32
      %lt3A_76 = arith.constant 2500 : i32
      %lt3A_77 = arith.cmpi slt, %add3A_75, %lt3A_76 : i32
      %convert_element_type3A_78 = arith.extui %lt3A_77 : i1 to i32
      %cond3A_79 = arith.constant 0 : i32
      %cond3A_80 = arith.cmpi ne, %convert_element_type3A_78, %cond3A_79 : i32
      scf.if %cond3A_80 {
        %add3A_128 = arith.constant 2 : i32
        %add3A_129 = arith.addi %mul3A_61, %add3A_128 : i32
        %add3A_130 = arith.constant 0 : i32
        %add3A_131 = arith.addi %add3A_129, %add3A_130 : i32
        %mul3A_132 = arith.constant 32 : i32
        %mul3A_133 = arith.muli %add3A_131, %mul3A_132 : i32
        %add3A_134 = arith.addi %add3A, %mul3A_133 : i32
        %mul3A_135 = arith.constant 128 : i32
        %mul3A_136 = arith.muli %add3A_134, %mul3A_135 : i32
        %dma_start3A_137 = arith.constant 0 : i32
        %dma_start3A_138 = tpu.memref_slice %arg3[%dma_start3A_137, %mul3A_136] : memref<2x320000xi32, #tpu.memory_space<hbm>> -> memref<2x128xi32, #tpu.memory_space<hbm>>
        %dma_start3A_139 = arith.constant 0 : i32
        %dma_start3A_140 = tpu.memref_slice %arg3[%dma_start3A_139, %mul3A_136] : memref<2x320000xi32, #tpu.memory_space<hbm>> -> memref<2x128xi32, #tpu.memory_space<hbm>>
        tpu.enqueue_dma source(%dma_start3A_140 : memref<2x128xi32, #tpu.memory_space<hbm>>) target(%arg6 : memref<2x128xi32, #tpu.memory_space<vmem>>) target_semaphore(%arg11 : memref<!tpu.dma_semaphore, #tpu.memory_space<semaphore_mem>>)
      } else {
      }
      %add3A_81 = arith.constant 1 : i32
      %add3A_82 = arith.addi %mul3A_61, %add3A_81 : i32
      %mul3A_83 = arith.constant 32 : i32
      %mul3A_84 = arith.muli %add3A_82, %mul3A_83 : i32
      %add3A_85 = arith.addi %add3A, %mul3A_84 : i32
      %lt3A_86 = arith.constant 2500 : i32
      %lt3A_87 = arith.cmpi slt, %add3A_85, %lt3A_86 : i32
      %convert_element_type3A_88 = arith.extui %lt3A_87 : i1 to i32
      %cond3A_89 = arith.constant 0 : i32
      %cond3A_90 = arith.cmpi ne, %convert_element_type3A_88, %cond3A_89 : i32
      scf.if %cond3A_90 {
        %dma_wait3A_128 = arith.constant 0 : i32
        %dma_wait3A_129 = arith.constant 0 : i32
        %dma_wait3A_130 = tpu.memref_slice %arg7[%dma_wait3A_128, %dma_wait3A_129] : memref<2x128xi32, #tpu.memory_space<vmem>> -> memref<1x128xi32, #tpu.memory_space<vmem>>
        %dma_wait3A_131 = tpu.memref_squeeze %dma_wait3A_130 : memref<1x128xi32, #tpu.memory_space<vmem>> -> memref<128xi32, #tpu.memory_space<vmem>>
        %dma_wait3A_132 = arith.constant 0 : i32
        %dma_wait3A_133 = arith.constant 0 : i32
        %dma_wait3A_134 = tpu.memref_slice %arg2[%dma_wait3A_132, %dma_wait3A_133] : memref<10000x128xf32, #tpu.memory_space<hbm>> -> memref<10000x128xf32, #tpu.memory_space<hbm>>
        tpu.wait_indirect_dma semaphore(%arg14 : memref<!tpu.dma_semaphore, #tpu.memory_space<semaphore_mem>>) src(%dma_wait3A_134 : memref<10000x128xf32, #tpu.memory_space<hbm>>) dst(%arg9 : memref<128x128xf32, #tpu.memory_space<vmem>>)
        %run_scoped3A = arith.constant 1 : i32
        "tpu.region"() ({
          %run_scoped3A_135 = tpu.sem_alloc : memref<!tpu.dma_semaphore, #tpu.memory_space<semaphore_mem>>
          %dma_start3A_136 = arith.constant 0 : i32
          %dma_start3A_137 = tpu.memref_slice %arg7[%run_scoped3A, %dma_start3A_136] : memref<2x128xi32, #tpu.memory_space<vmem>> -> memref<1x128xi32, #tpu.memory_space<vmem>>
          %dma_start3A_138 = tpu.memref_squeeze %dma_start3A_137 : memref<1x128xi32, #tpu.memory_space<vmem>> -> memref<128xi32, #tpu.memory_space<vmem>>
          %dma_start3A_139 = arith.constant 0 : i32
          %dma_start3A_140 = arith.constant 0 : i32
          %dma_start3A_141 = tpu.memref_slice %arg10[%dma_start3A_139, %dma_start3A_140] : memref<10112x128xf32, #tpu.memory_space<vmem_shared>> -> memref<10112x128xf32, #tpu.memory_space<vmem_shared>>
          tpu.enqueue_indirect_dma source(%arg9 : memref<128x128xf32, #tpu.memory_space<vmem>>) target(%dma_start3A_141 : memref<10112x128xf32, #tpu.memory_space<vmem_shared>>) offsets(%dma_start3A_138 : memref<128xi32, #tpu.memory_space<vmem>>) semaphore(%run_scoped3A_135 : memref<!tpu.dma_semaphore, #tpu.memory_space<semaphore_mem>>) {add = true}
          %dma_wait3A_142 = arith.constant 0 : i32
          %dma_wait3A_143 = tpu.memref_slice %arg7[%run_scoped3A, %dma_wait3A_142] : memref<2x128xi32, #tpu.memory_space<vmem>> -> memref<1x128xi32, #tpu.memory_space<vmem>>
          %dma_wait3A_144 = tpu.memref_squeeze %dma_wait3A_143 : memref<1x128xi32, #tpu.memory_space<vmem>> -> memref<128xi32, #tpu.memory_space<vmem>>
          %dma_wait3A_145 = arith.constant 0 : i32
          %dma_wait3A_146 = arith.constant 0 : i32
          %dma_wait3A_147 = tpu.memref_slice %arg10[%dma_wait3A_145, %dma_wait3A_146] : memref<10112x128xf32, #tpu.memory_space<vmem_shared>> -> memref<10112x128xf32, #tpu.memory_space<vmem_shared>>
          tpu.wait_indirect_dma semaphore(%run_scoped3A_135 : memref<!tpu.dma_semaphore, #tpu.memory_space<semaphore_mem>>) src(%arg9 : memref<128x128xf32, #tpu.memory_space<vmem>>) dst(%dma_wait3A_147 : memref<10112x128xf32, #tpu.memory_space<vmem_shared>>)
          tpu.yield
        }) : () -> ()
      } else {
      }
      %add3A_91 = arith.constant 2 : i32
      %add3A_92 = arith.addi %mul3A_61, %add3A_91 : i32
      %add3A_93 = arith.constant 1 : i32
      %add3A_94 = arith.addi %add3A_92, %add3A_93 : i32
      %mul3A_95 = arith.constant 32 : i32
      %mul3A_96 = arith.muli %add3A_94, %mul3A_95 : i32
      %add3A_97 = arith.addi %add3A, %mul3A_96 : i32
      %lt3A_98 = arith.constant 2500 : i32
      %lt3A_99 = arith.cmpi slt, %add3A_97, %lt3A_98 : i32
      %convert_element_type3A_100 = arith.extui %lt3A_99 : i1 to i32
      %cond3A_101 = arith.constant 0 : i32
      %cond3A_102 = arith.cmpi ne, %convert_element_type3A_100, %cond3A_101 : i32
      scf.if %cond3A_102 {
        %add3A_128 = arith.constant 2 : i32
        %add3A_129 = arith.addi %mul3A_61, %add3A_128 : i32
        %add3A_130 = arith.constant 1 : i32
        %add3A_131 = arith.addi %add3A_129, %add3A_130 : i32
        %mul3A_132 = arith.constant 32 : i32
        %mul3A_133 = arith.muli %add3A_131, %mul3A_132 : i32
        %add3A_134 = arith.addi %add3A, %mul3A_133 : i32
        %mul3A_135 = arith.constant 128 : i32
        %mul3A_136 = arith.muli %add3A_134, %mul3A_135 : i32
        %dma_start3A_137 = arith.constant 0 : i32
        %dma_start3A_138 = tpu.memref_slice %arg3[%dma_start3A_137, %mul3A_136] : memref<2x320000xi32, #tpu.memory_space<hbm>> -> memref<2x128xi32, #tpu.memory_space<hbm>>
        %dma_start3A_139 = arith.constant 0 : i32
        %dma_start3A_140 = tpu.memref_slice %arg3[%dma_start3A_139, %mul3A_136] : memref<2x320000xi32, #tpu.memory_space<hbm>> -> memref<2x128xi32, #tpu.memory_space<hbm>>
        tpu.enqueue_dma source(%dma_start3A_140 : memref<2x128xi32, #tpu.memory_space<hbm>>) target(%arg7 : memref<2x128xi32, #tpu.memory_space<vmem>>) target_semaphore(%arg12 : memref<!tpu.dma_semaphore, #tpu.memory_space<semaphore_mem>>)
      } else {
      }
      %add3A_103 = arith.constant 2 : i32
      %add3A_104 = arith.addi %mul3A_61, %add3A_103 : i32
      %add3A_105 = arith.constant 0 : i32
      %add3A_106 = arith.addi %add3A_104, %add3A_105 : i32
      %mul3A_107 = arith.constant 32 : i32
      %mul3A_108 = arith.muli %add3A_106, %mul3A_107 : i32
      %add3A_109 = arith.addi %add3A, %mul3A_108 : i32
      %lt3A_110 = arith.constant 2500 : i32
      %lt3A_111 = arith.cmpi slt, %add3A_109, %lt3A_110 : i32
      %convert_element_type3A_112 = arith.extui %lt3A_111 : i1 to i32
      %cond3A_113 = arith.constant 0 : i32
      %cond3A_114 = arith.cmpi ne, %convert_element_type3A_112, %cond3A_113 : i32
      scf.if %cond3A_114 {
        %add3A_128 = arith.constant 2 : i32
        %add3A_129 = arith.addi %mul3A_61, %add3A_128 : i32
        %add3A_130 = arith.constant 0 : i32
        %add3A_131 = arith.addi %add3A_129, %add3A_130 : i32
        %mul3A_132 = arith.constant 32 : i32
        %mul3A_133 = arith.muli %add3A_131, %mul3A_132 : i32
        %add3A_134 = arith.addi %add3A, %mul3A_133 : i32
        %mul3A_135 = arith.constant 128 : i32
        %mul3A_136 = arith.muli %add3A_134, %mul3A_135 : i32
        %dma_wait3A_137 = arith.constant 0 : i32
        %dma_wait3A_138 = tpu.memref_slice %arg3[%dma_wait3A_137, %mul3A_136] : memref<2x320000xi32, #tpu.memory_space<hbm>> -> memref<2x128xi32, #tpu.memory_space<hbm>>
        %dma_wait3A_139 = arith.constant 0 : i32
        %dma_wait3A_140 = tpu.memref_slice %arg3[%dma_wait3A_139, %mul3A_136] : memref<2x320000xi32, #tpu.memory_space<hbm>> -> memref<2x128xi32, #tpu.memory_space<hbm>>
        tpu.wait_dma2 semaphore(%arg11 : memref<!tpu.dma_semaphore, #tpu.memory_space<semaphore_mem>>) src(%dma_wait3A_140 : memref<2x128xi32, #tpu.memory_space<hbm>>) dst(%arg6 : memref<2x128xi32, #tpu.memory_space<vmem>>)
        %dma_start3A_141 = arith.constant 0 : i32
        %dma_start3A_142 = arith.constant 0 : i32
        %dma_start3A_143 = tpu.memref_slice %arg6[%dma_start3A_141, %dma_start3A_142] : memref<2x128xi32, #tpu.memory_space<vmem>> -> memref<1x128xi32, #tpu.memory_space<vmem>>
        %dma_start3A_144 = tpu.memref_squeeze %dma_start3A_143 : memref<1x128xi32, #tpu.memory_space<vmem>> -> memref<128xi32, #tpu.memory_space<vmem>>
        %dma_start3A_145 = arith.constant 0 : i32
        %dma_start3A_146 = arith.constant 0 : i32
        %dma_start3A_147 = tpu.memref_slice %arg2[%dma_start3A_145, %dma_start3A_146] : memref<10000x128xf32, #tpu.memory_space<hbm>> -> memref<10000x128xf32, #tpu.memory_space<hbm>>
        tpu.enqueue_indirect_dma source(%dma_start3A_147 : memref<10000x128xf32, #tpu.memory_space<hbm>>) target(%arg8 : memref<128x128xf32, #tpu.memory_space<vmem>>) offsets(%dma_start3A_144 : memref<128xi32, #tpu.memory_space<vmem>>) semaphore(%arg13 : memref<!tpu.dma_semaphore, #tpu.memory_space<semaphore_mem>>)
      } else {
      }
      %add3A_115 = arith.constant 2 : i32
      %add3A_116 = arith.addi %mul3A_61, %add3A_115 : i32
      %add3A_117 = arith.constant 1 : i32
      %add3A_118 = arith.addi %add3A_116, %add3A_117 : i32
      %mul3A_119 = arith.constant 32 : i32
      %mul3A_120 = arith.muli %add3A_118, %mul3A_119 : i32
      %add3A_121 = arith.addi %add3A, %mul3A_120 : i32
      %lt3A_122 = arith.constant 2500 : i32
      %lt3A_123 = arith.cmpi slt, %add3A_121, %lt3A_122 : i32
      %convert_element_type3A_124 = arith.extui %lt3A_123 : i1 to i32
      %cond3A_125 = arith.constant 0 : i32
      %cond3A_126 = arith.cmpi ne, %convert_element_type3A_124, %cond3A_125 : i32
      scf.if %cond3A_126 {
        %add3A_128 = arith.constant 2 : i32
        %add3A_129 = arith.addi %mul3A_61, %add3A_128 : i32
        %add3A_130 = arith.constant 1 : i32
        %add3A_131 = arith.addi %add3A_129, %add3A_130 : i32
        %mul3A_132 = arith.constant 32 : i32
        %mul3A_133 = arith.muli %add3A_131, %mul3A_132 : i32
        %add3A_134 = arith.addi %add3A, %mul3A_133 : i32
        %mul3A_135 = arith.constant 128 : i32
        %mul3A_136 = arith.muli %add3A_134, %mul3A_135 : i32
        %dma_wait3A_137 = arith.constant 0 : i32
        %dma_wait3A_138 = tpu.memref_slice %arg3[%dma_wait3A_137, %mul3A_136] : memref<2x320000xi32, #tpu.memory_space<hbm>> -> memref<2x128xi32, #tpu.memory_space<hbm>>
        %dma_wait3A_139 = arith.constant 0 : i32
        %dma_wait3A_140 = tpu.memref_slice %arg3[%dma_wait3A_139, %mul3A_136] : memref<2x320000xi32, #tpu.memory_space<hbm>> -> memref<2x128xi32, #tpu.memory_space<hbm>>
        tpu.wait_dma2 semaphore(%arg12 : memref<!tpu.dma_semaphore, #tpu.memory_space<semaphore_mem>>) src(%dma_wait3A_140 : memref<2x128xi32, #tpu.memory_space<hbm>>) dst(%arg7 : memref<2x128xi32, #tpu.memory_space<vmem>>)
        %dma_start3A_141 = arith.constant 0 : i32
        %dma_start3A_142 = arith.constant 0 : i32
        %dma_start3A_143 = tpu.memref_slice %arg7[%dma_start3A_141, %dma_start3A_142] : memref<2x128xi32, #tpu.memory_space<vmem>> -> memref<1x128xi32, #tpu.memory_space<vmem>>
        %dma_start3A_144 = tpu.memref_squeeze %dma_start3A_143 : memref<1x128xi32, #tpu.memory_space<vmem>> -> memref<128xi32, #tpu.memory_space<vmem>>
        %dma_start3A_145 = arith.constant 0 : i32
        %dma_start3A_146 = arith.constant 0 : i32
        %dma_start3A_147 = tpu.memref_slice %arg2[%dma_start3A_145, %dma_start3A_146] : memref<10000x128xf32, #tpu.memory_space<hbm>> -> memref<10000x128xf32, #tpu.memory_space<hbm>>
        tpu.enqueue_indirect_dma source(%dma_start3A_147 : memref<10000x128xf32, #tpu.memory_space<hbm>>) target(%arg9 : memref<128x128xf32, #tpu.memory_space<vmem>>) offsets(%dma_start3A_144 : memref<128xi32, #tpu.memory_space<vmem>>) semaphore(%arg14 : memref<!tpu.dma_semaphore, #tpu.memory_space<semaphore_mem>>)
      } else {
      }
      %scan3A_127 = arith.constant 0 : i32
      scf.yield %scan3A_127 : i32
    }
    %scan3A_52 = arith.constant 40 : i32
    %barrier3A_53 = arith.constant 0 : index
    tpu.barrier barrier_id(%barrier3A_53)
    %mul3A_54 = arith.constant 632 : i32
    %mul3A_55 = arith.muli %arg1, %mul3A_54 : i32
    %mul3A_56 = arith.constant 632 : i32
    %mul3A_57 = arith.muli %arg1, %mul3A_56 : i32
    "tpu.region"() ({
      %run_scoped3A = tpu.sem_alloc : memref<!tpu.dma_semaphore, #tpu.memory_space<semaphore_mem>>
      %dma_start3A_58 = arith.constant 0 : i32
      %dma_start3A_59 = tpu.memref_slice %arg5[%arg0, %mul3A_57, %dma_start3A_58] : memref<2x10112x128xf32, #tpu.memory_space<hbm>> -> memref<1x632x128xf32, #tpu.memory_space<hbm>>
      %dma_start3A_60 = tpu.memref_squeeze %dma_start3A_59 : memref<1x632x128xf32, #tpu.memory_space<hbm>> -> memref<632x128xf32, #tpu.memory_space<hbm>>
      %dma_start3A_61 = arith.constant 0 : i32
      %dma_start3A_62 = tpu.memref_slice %arg10[%mul3A_55, %dma_start3A_61] : memref<10112x128xf32, #tpu.memory_space<vmem_shared>> -> memref<632x128xf32, #tpu.memory_space<vmem_shared>>
      tpu.enqueue_dma source(%dma_start3A_62 : memref<632x128xf32, #tpu.memory_space<vmem_shared>>) target(%dma_start3A_60 : memref<632x128xf32, #tpu.memory_space<hbm>>) target_semaphore(%run_scoped3A : memref<!tpu.dma_semaphore, #tpu.memory_space<semaphore_mem>>)
      %dma_wait3A_63 = arith.constant 0 : i32
      %dma_wait3A_64 = tpu.memref_slice %arg5[%arg0, %mul3A_57, %dma_wait3A_63] : memref<2x10112x128xf32, #tpu.memory_space<hbm>> -> memref<1x632x128xf32, #tpu.memory_space<hbm>>
      %dma_wait3A_65 = tpu.memref_squeeze %dma_wait3A_64 : memref<1x632x128xf32, #tpu.memory_space<hbm>> -> memref<632x128xf32, #tpu.memory_space<hbm>>
      %dma_wait3A_66 = arith.constant 0 : i32
      %dma_wait3A_67 = tpu.memref_slice %arg10[%mul3A_55, %dma_wait3A_66] : memref<10112x128xf32, #tpu.memory_space<vmem_shared>> -> memref<632x128xf32, #tpu.memory_space<vmem_shared>>
      tpu.wait_dma2 semaphore(%run_scoped3A : memref<!tpu.dma_semaphore, #tpu.memory_space<semaphore_mem>>) src(%dma_wait3A_67 : memref<632x128xf32, #tpu.memory_space<vmem_shared>>) dst(%dma_wait3A_65 : memref<632x128xf32, #tpu.memory_space<hbm>>)
      tpu.yield
    }) : () -> ()
    return
  }
}

module attributes {stable_mosaic.version = 14 : i64} {
  func.func @_prep_body(%arg0: memref<5000x128xf32, #tpu.memory_space<vmem>>, %arg1: memref<5000x128xf32, #tpu.memory_space<vmem>>, %arg2: memref<10000x1xf32, #tpu.memory_space<vmem>>, %arg3: memref<10000x128xf32, #tpu.memory_space<vmem>>) attributes {dimension_semantics = [], scalar_prefetch = 0 : i64, scratch_operands = 0 : i64, tpu.core_type = #tpu.core_type<tc>} {
    %get3A = arith.constant 0 : index
    %get3A_0 = arith.constant 0 : index
    %get3A_1 = vector.load %arg0[%get3A, %get3A_0] : memref<5000x128xf32, #tpu.memory_space<vmem>>, vector<5000x128xf32>
    %get3A_2 = arith.constant 0 : index
    %get3A_3 = arith.constant 0 : index
    %get3A_4 = vector.load %arg2[%get3A_2, %get3A_3] : memref<10000x1xf32, #tpu.memory_space<vmem>>, vector<5000x1xf32>
    %mul3A = vector.broadcast %get3A_4 : vector<5000x1xf32> to vector<5000x128xf32>
    %mul3A_5 = arith.mulf %get3A_1, %mul3A : vector<5000x128xf32>
    %swap3A = arith.constant 0 : index
    %swap3A_6 = arith.constant 0 : index
    %swap3A_7 = vector.load %arg3[%swap3A, %swap3A_6] : memref<10000x128xf32, #tpu.memory_space<vmem>>, vector<5000x128xf32>
    tpu.vector_store %arg3[%swap3A, %swap3A_6], %mul3A_5 {strides = array<i32>} : memref<10000x128xf32, #tpu.memory_space<vmem>>, vector<5000x128xf32>,
    %get3A_8 = arith.constant 0 : index
    %get3A_9 = arith.constant 0 : index
    %get3A_10 = vector.load %arg1[%get3A_8, %get3A_9] : memref<5000x128xf32, #tpu.memory_space<vmem>>, vector<5000x128xf32>
    %get3A_11 = arith.constant 5000 : index
    %get3A_12 = arith.constant 0 : index
    %get3A_13 = vector.load %arg2[%get3A_11, %get3A_12] : memref<10000x1xf32, #tpu.memory_space<vmem>>, vector<5000x1xf32>
    %mul3A_14 = vector.broadcast %get3A_13 : vector<5000x1xf32> to vector<5000x128xf32>
    %mul3A_15 = arith.mulf %get3A_10, %mul3A_14 : vector<5000x128xf32>
    %swap3A_16 = arith.constant 5000 : index
    %swap3A_17 = arith.constant 0 : index
    %swap3A_18 = vector.load %arg3[%swap3A_16, %swap3A_17] : memref<10000x128xf32, #tpu.memory_space<vmem>>, vector<5000x128xf32>
    tpu.vector_store %arg3[%swap3A_16, %swap3A_17], %mul3A_15 {strides = array<i32>} : memref<10000x128xf32, #tpu.memory_space<vmem>>, vector<5000x128xf32>,
    return
  }
}

module attributes {stable_mosaic.version = 14 : i64} {
  func.func @_epi_body(%arg0: i32, %arg1: memref<2x5000x128xf32, #tpu.memory_space<vmem>>, %arg2: memref<5000x128xf32, #tpu.memory_space<vmem>>, %arg3: memref<5000x128xf32, #tpu.memory_space<vmem>>, %arg4: memref<5000x1xf32, #tpu.memory_space<vmem>>, %arg5: memref<128x128xf32, #tpu.memory_space<vmem>>, %arg6: memref<128x128xf32, #tpu.memory_space<vmem>>, %arg7: memref<5000x128xf32, #tpu.memory_space<vmem>>) attributes {dimension_semantics = [#tpu.dimension_semantics<arbitrary>], iteration_bounds = array<i64: 2>, scalar_prefetch = 0 : i64, scratch_operands = 0 : i64, tpu.core_type = #tpu.core_type<tc>, window_params = [{transform_indices = @transform_0, window_bounds = array<i64: 2, 5000, 128>}, {pipeline_mode = #tpu.pipeline_mode<synchronous>, transform_indices = @transform_1, window_bounds = array<i64: 5000, 128>}, {pipeline_mode = #tpu.pipeline_mode<synchronous>, transform_indices = @transform_2, window_bounds = array<i64: 5000, 128>}, {transform_indices = @transform_3, window_bounds = array<i64: 5000, 1>}, {pipeline_mode = #tpu.pipeline_mode<synchronous>, transform_indices = @transform_4, window_bounds = array<i64: 128, 128>}, {pipeline_mode = #tpu.pipeline_mode<synchronous>, transform_indices = @transform_5, window_bounds = array<i64: 128, 128>}, {transform_indices = @transform_6, window_bounds = array<i64: 5000, 128>}]} {
    %lt3A = arith.constant 1 : i32
    %lt3A_0 = arith.cmpi slt, %arg0, %lt3A : i32
    %get3A = arith.constant 0 : index
    %get3A_1 = arith.constant 0 : index
    %get3A_2 = vector.load %arg2[%get3A, %get3A_1] : memref<5000x128xf32, #tpu.memory_space<vmem>>, vector<5000x128xf32>
    %get3A_3 = arith.constant 0 : index
    %get3A_4 = arith.constant 0 : index
    %get3A_5 = vector.load %arg3[%get3A_3, %get3A_4] : memref<5000x128xf32, #tpu.memory_space<vmem>>, vector<5000x128xf32>
    %select_n3A = arith.select %lt3A_0, %get3A_2, %get3A_5 : vector<5000x128xf32>
    %get3A_6 = arith.constant 0 : index
    %get3A_7 = arith.constant 0 : index
    %get3A_8 = arith.constant 0 : index
    %get3A_9 = vector.load %arg1[%get3A_6, %get3A_7, %get3A_8] : memref<2x5000x128xf32, #tpu.memory_space<vmem>>, vector<1x5000x128xf32>
    %get3A_10 = vector.shape_cast %get3A_9 : vector<1x5000x128xf32> to vector<5000x128xf32>
    %get3A_11 = arith.constant 1 : index
    %get3A_12 = arith.constant 0 : index
    %get3A_13 = arith.constant 0 : index
    %get3A_14 = vector.load %arg1[%get3A_11, %get3A_12, %get3A_13] : memref<2x5000x128xf32, #tpu.memory_space<vmem>>, vector<1x5000x128xf32>
    %get3A_15 = vector.shape_cast %get3A_14 : vector<1x5000x128xf32> to vector<5000x128xf32>
    %add3A = arith.addf %get3A_10, %get3A_15 : vector<5000x128xf32>
    %get3A_16 = arith.constant 0 : index
    %get3A_17 = arith.constant 0 : index
    %get3A_18 = vector.load %arg4[%get3A_16, %get3A_17] : memref<5000x1xf32, #tpu.memory_space<vmem>>, vector<5000x1xf32>
    %mul3A = vector.broadcast %get3A_18 : vector<5000x1xf32> to vector<5000x128xf32>
    %mul3A_19 = arith.mulf %add3A, %mul3A : vector<5000x128xf32>
    %add3A_20 = arith.addf %mul3A_19, %select_n3A : vector<5000x128xf32>
    %get3A_21 = arith.constant 0 : index
    %get3A_22 = arith.constant 0 : index
    %get3A_23 = vector.load %arg5[%get3A_21, %get3A_22] : memref<128x128xf32, #tpu.memory_space<vmem>>, vector<128x128xf32>
    %dot_general3A = arith.constant dense<0.000000e+00> : vector<5000x128xf32>
    %dot_general3A_24 = tpu.matmul %add3A_20, %get3A_23, %dot_general3A {dimension_numbers = #tpu.dot_dimension_numbers<[1], [0], [0], [1], [0, 0, 1, 1], [], []>, transpose_lhs_hint = false} : vector<5000x128xf32>, vector<128x128xf32>, vector<5000x128xf32> -> vector<5000x128xf32>
    %mul3A_25 = arith.mulf %mul3A_19, %select_n3A : vector<5000x128xf32>
    %get3A_26 = arith.constant 0 : index
    %get3A_27 = arith.constant 0 : index
    %get3A_28 = vector.load %arg6[%get3A_26, %get3A_27] : memref<128x128xf32, #tpu.memory_space<vmem>>, vector<128x128xf32>
    %dot_general3A_29 = arith.constant dense<0.000000e+00> : vector<5000x128xf32>
    %dot_general3A_30 = tpu.matmul %mul3A_25, %get3A_28, %dot_general3A_29 {dimension_numbers = #tpu.dot_dimension_numbers<[1], [0], [0], [1], [0, 0, 1, 1], [], []>, transpose_lhs_hint = false} : vector<5000x128xf32>, vector<128x128xf32>, vector<5000x128xf32> -> vector<5000x128xf32>
    %add3A_31 = arith.addf %dot_general3A_24, %dot_general3A_30 : vector<5000x128xf32>
    %ge3A = arith.constant 0.000000e+00 : f32
    %ge3A_32 = vector.broadcast %ge3A : f32 to vector<5000x128xf32>
    %ge3A_33 = arith.cmpf oge, %add3A_31, %ge3A_32 : vector<5000x128xf32>
    %mul3A_34 = arith.constant 2.000000e-01 : f32
    %mul3A_35 = vector.broadcast %mul3A_34 : f32 to vector<5000x128xf32>
    %mul3A_36 = arith.mulf %mul3A_35, %add3A_31 : vector<5000x128xf32>
    %select_n3A_37 = arith.select %ge3A_33, %add3A_31, %mul3A_36 : vector<5000x128xi1>, vector<5000x128xf32>
    %mul3A_38 = arith.mulf %select_n3A_37, %select_n3A_37 : vector<5000x128xf32>
    %reduce_sum3A = arith.constant dense<0.000000e+00> : vector<5000xf32>
    %reduce_sum3A_39 = vector.multi_reduction <add>, %mul3A_38, %reduce_sum3A [1] : vector<5000x128xf32> to vector<5000xf32>
    %broadcast_in_dim3A = vector.shape_cast %reduce_sum3A_39 : vector<5000xf32> to vector<5000x1xf32>
    %sqrt3A = math.sqrt %broadcast_in_dim3A : vector<5000x1xf32>
    %max3A = arith.constant 9.99999996E-13 : f32
    %max3A_40 = vector.broadcast %max3A : f32 to vector<5000x1xf32>
    %max3A_41 = arith.maximumf %sqrt3A, %max3A_40 : vector<5000x1xf32>
    %div3A = vector.broadcast %max3A_41 : vector<5000x1xf32> to vector<5000x128xf32>
    %div3A_42 = arith.divf %select_n3A_37, %div3A : vector<5000x128xf32>
    %swap3A = arith.constant 0 : index
    %swap3A_43 = arith.constant 0 : index
    %swap3A_44 = vector.load %arg7[%swap3A, %swap3A_43] : memref<5000x128xf32, #tpu.memory_space<vmem>>, vector<5000x128xf32>
    tpu.vector_store %arg7[%swap3A, %swap3A_43], %div3A_42 {strides = array<i32>} : memref<5000x128xf32, #tpu.memory_space<vmem>>, vector<5000x128xf32>,
    return
  }
  func.func @transform_0(%arg0: i32) -> (i32, i32, i32) {
    %c0_i32 = arith.constant 0 : i32
    %c0_i32_0 = arith.constant 0 : i32
    %c0_i32_1 = arith.constant 0 : i32
    return %c0_i32, %arg0, %c0_i32_0 : i32, i32, i32
  }
  func.func @transform_1(%arg0: i32) -> (i32, i32) {
    %c0_i32 = arith.constant 0 : i32
    %c0_i32_0 = arith.constant 0 : i32
    %c0_i32_1 = arith.constant 0 : i32
    return %c0_i32, %c0_i32_0 : i32, i32
  }
  func.func @transform_2(%arg0: i32) -> (i32, i32) {
    %c0_i32 = arith.constant 0 : i32
    %c0_i32_0 = arith.constant 0 : i32
    %c0_i32_1 = arith.constant 0 : i32
    return %c0_i32, %c0_i32_0 : i32, i32
  }
  func.func @transform_3(%arg0: i32) -> (i32, i32) {
    %c0_i32 = arith.constant 0 : i32
    %c0_i32_0 = arith.constant 0 : i32
    return %arg0, %c0_i32 : i32, i32
  }
  func.func @transform_4(%arg0: i32) -> (i32, i32) {
    %c0_i32 = arith.constant 0 : i32
    %c0_i32_0 = arith.constant 0 : i32
    %c0_i32_1 = arith.constant 0 : i32
    return %c0_i32, %c0_i32_0 : i32, i32
  }
  func.func @transform_5(%arg0: i32) -> (i32, i32) {
    %c0_i32 = arith.constant 0 : i32
    %c0_i32_0 = arith.constant 0 : i32
    %c0_i32_1 = arith.constant 0 : i32
    return %c0_i32, %c0_i32_0 : i32, i32
  }
  func.func @transform_6(%arg0: i32) -> (i32, i32) {
    %c0_i32 = arith.constant 0 : i32
    %c0_i32_0 = arith.constant 0 : i32
    return %arg0, %c0_i32 : i32, i32
  }
}

</mosaic_0001>

<sc_bundles>
// kernel: kernel.5.cloned.1.call-start
scs
__scs_entry_jumppad:
0x0: {  	(pc) =	sbr.rel $0x88, $3  }
0x1: {  	(tag) =	ssettag $0x0;
	lr =	simm.s32 $0x1  }
0x2: {  	[smem:$0x3F9B] =	sst lr;
	_ =	strace $0xD0000000  }
0x3: {  	_ = 	snop  }
0x4: {  	_ = 	snop  }
0x5: {  	_ = 	snop  }
0x6: {  	_ = 	snop  }
0x7: {  	_ = 	snop  }
__scs_overlays_trampoline_lowered:
0x8: {  	[smem:$0x3FAA] =	sst s0  }
0x9: {  	[smem:$0x3FAB] =	sst s1  }
0xa: {  	[smem:$0x3FAC] =	sst s2  }
0xb: {  	[smem:$0x3FAD] =	sst s3  }
0xc: {  	[smem:$0x3FAE] =	sst s4  }
0xd: {  	[smem:$0x3FAF] =	sst s5  }
0xe: {  	[smem:$0x3FB0] =	sst s6  }
0xf: {  	[smem:$0x3FB1] =	sst s7  }
0x10: {  	[smem:$0x3FB2] =	sst s8  }
0x11: {  	[smem:$0x3FB3] =	sst s9;
	s0 =	simm.s32 @!p0 $0x0  }
0x12: {  	s1 =	sld [smem:$0x3F99];
	s0 =	simm.s32 @p0 $0x1  }
0x13: {  	[smem:$0x3FB4] =	sst s0;
	s0 =	simm.s32 @!p1 $0x0  }
0x14: {  	s2 =	sld [smem:$0x3F98];
	s0 =	simm.s32 @p1 $0x1  }
0x15: {  	[smem:$0x3FB5] =	sst s0;
	s0 =	simm.s32 @!p2 $0x0  }
0x16: {  	s3 =	sld [smem:$0x3FDB];
	s0 =	simm.s32 @p2 $0x1  }
0x17: {  	s4 =	simm.s32 $0x1BF5;
	[smem:$0x3FB7] =	sst s0  }
0x18: {  	s0 =	sld [smem:$0x3F9A];
	_ =	swait.ge [sflag:s4], $0x0  }
0x19: {  	s7 =	sld [smem:$0x3F9B]  }
0x1a: {  	s8 =	sadd.s32 $0xFFFFE003, lr  }
0x1b: {  	s9 =	sadd.s32 $0xFFFFFEF7, lr;
	s5 =	simm.s32 $0xFFFFFFFF;
	p2 =	slt.u32 s8, $0xFFFFF086  }
0x1c: {  	p1 =	slt.u32 s9, $0xF7A;
	s5 =	simm.s32 @!p2 $0x0  }
0x1d: {  	s5 =	simm.s32 @p1 $0x1;
	p0 =	seq.s32 s7, s2  }
0x1e: {  	s7 =	smul.u32 @!p0 $0xF7A, s2;
	p2 =	seq.s32 @!p0 s5, $0x0  }
0x1f: {  	s9 =	smul.u32 $0xF7A, s1;
	s8 =	simm.s32 @!p0 $0x1BF5;
	p2 =	por !p2, p0  }
0x20: {  	[sflag:s8] =	ssyncset.s32 @!p0 $0xFFFFF086;
	s6 =	sadd.s32 @!p0 s3, s7;
	s7 =	simm.s32 @!p0 $0x108  }
0x21: {  	s3 =	sadd.s32 s3, s9;
	s6 =	sadd.s32 @!p0 $0x88, s6;
	s7 =	simm.s32 @p2 $0x1082  }
0x22: {  	[simem:s7], [sflag:s8] =	dma.local @!p0 [hbm:s6], $0xF7A  }
0x23: {  	s9 =	sor.u32 $0xD0000000, s2;
	s6 =	simm.s32 $0x108;
	_ =	swait.ge @!p0 [sflag:s8], $0x0  }
0x24: {  	s3 =	sadd.s32 $0x88, s3;
	s6 =	simm.s32 @!p1 $0x1082;
	[sflag:s4] =	ssyncset.s32 $0xFFFFF086  }
0x25: {  	[simem:s6], [sflag:s4] =	dma.local [hbm:s3], $0xF7A  }
0x26: {  	[smem:$0x3F9B] =	sst s1;
	(tag) =	ssettag s2;
	_ =	strace s9  }
0x27: {  	s1 =	sld [smem:$0x3FAB]  }
0x28: {  	s2 =	sld [smem:$0x3FAC]  }
0x29: {  	s4 =	sld [smem:$0x3FAE]  }
0x2a: {  	p0 =	seq.s32 s5, $0x0;
	s5 =	sld [smem:$0x3FAF]  }
0x2b: {  	s6 =	sld [smem:$0x3FB0]  }
0x2c: {  	s7 =	sld [smem:$0x3FB1]  }
0x2d: {  	s3 =	simm.s32 $0x108;
	s8 =	sld [smem:$0x3FB2]  }
0x2e: {  	s3 =	simm.s32 @!p0 $0x1082;
	s9 =	sld [smem:$0x3FB3]  }
0x2f: {  	lr =	sadd.s32 s0, s3;
	s0 =	sld [smem:$0x3FAA]  }
0x30: {  	s3 =	sld [smem:$0x3FAD]  }
0x31: {  	[smem:$0x3FB6] =	sst s10  }
0x32: {  	s10 =	sld [smem:$0x3FB4];
	_ =	sdelay $0x3  }
0x33: {  	p0 =	seq.s32 s10, $0x1;
	s10 =	sld [smem:$0x3FB6];
	_ =	sdelay $0x3  }
0x34: {  	[smem:$0x3FB6] =	sst s10  }
0x35: {  	s10 =	sld [smem:$0x3FB5];
	_ =	sdelay $0x3  }
0x36: {  	p1 =	seq.s32 s10, $0x1;
	s10 =	sld [smem:$0x3FB6];
	_ =	sdelay $0x3  }
0x37: {  	[smem:$0x3FB6] =	sst s10  }
0x38: {  	s10 =	sld [smem:$0x3FB7]  }
0x39: {  	_ = 	snop;
	(pc) =	sbr.ind lr, $3  }
0x3a: {  	_ = 	snop  }
0x3b: {  	_ = 	snop  }
0x3c: {  	p2 =	seq.s32 s10, $0x1;
	s10 =	sld [smem:$0x3FB6]  }
0x3d: {  	_ =	shalt  }
0x3e: {  	_ =	shalt  }
0x3f: {  	_ =	shalt  }
0x40: {  	_ =	shalt  }
0x41: {  	_ =	shalt  }
0x42: {  	_ =	shalt  }
0x43: {  	_ =	shalt  }
0x44: {  	_ =	shalt  }
0x45: {  	_ =	shalt  }
0x46: {  	_ =	shalt  }
0x47: {  	_ =	shalt  }
0x48: {  	_ =	shalt  }
0x49: {  	_ =	shalt  }
0x4a: {  	_ =	shalt  }
0x4b: {  	_ =	shalt  }
0x4c: {  	_ =	shalt  }
0x4d: {  	_ =	shalt  }
0x4e: {  	_ =	shalt  }
0x4f: {  	_ =	shalt  }
0x50: {  	_ =	shalt  }
0x51: {  	_ =	shalt  }
0x52: {  	_ =	shalt  }
0x53: {  	_ =	shalt  }
0x54: {  	_ =	shalt  }
0x55: {  	_ =	shalt  }
0x56: {  	_ =	shalt  }
0x57: {  	_ =	shalt  }
0x58: {  	_ =	shalt  }
0x59: {  	_ =	shalt  }
0x5a: {  	_ =	shalt  }
0x5b: {  	_ =	shalt  }
0x5c: {  	_ =	shalt  }
0x5d: {  	_ =	shalt  }
0x5e: {  	_ =	shalt  }
0x5f: {  	_ =	shalt  }
0x60: {  	_ =	shalt  }
0x61: {  	_ =	shalt  }
0x62: {  	_ =	shalt  }
0x63: {  	_ =	shalt  }
0x64: {  	_ =	shalt  }
0x65: {  	_ =	shalt  }
0x66: {  	_ =	shalt  }
0x67: {  	_ =	shalt  }
0x68: {  	_ =	shalt  }
0x69: {  	_ =	shalt  }
0x6a: {  	_ =	shalt  }
0x6b: {  	_ =	shalt  }
0x6c: {  	_ =	shalt  }
0x6d: {  	_ =	shalt  }
0x6e: {  	_ =	shalt  }
0x6f: {  	_ =	shalt  }
0x70: {  	_ =	shalt  }
0x71: {  	_ =	shalt  }
0x72: {  	_ =	shalt  }
0x73: {  	_ =	shalt  }
0x74: {  	_ =	shalt  }
0x75: {  	_ =	shalt  }
0x76: {  	_ =	shalt  }
0x77: {  	_ =	shalt  }
0x78: {  	_ =	shalt  }
0x79: {  	_ =	shalt  }
0x7a: {  	_ =	shalt  }
0x7b: {  	_ =	shalt  }
0x7c: {  	_ =	shalt  }
0x7d: {  	_ =	shalt  }
0x7e: {  	_ =	shalt  }
0x7f: {  	_ =	shalt  }
0x80: {  	_ =	shalt  }
0x81: {  	_ =	shalt  }
0x82: {  	_ =	shalt  }
0x83: {  	_ =	shalt  }
0x84: {  	_ =	shalt  }
0x85: {  	_ =	shalt  }
0x86: {  	_ =	shalt  }
0x87: {  	_ =	shalt  }
.Lfunc_end0:
.L_simem_size_0:
called_computation_lowered:
.L_overlay_start_0:
0x88: {  	s2 =	sld [smem:$0x3FD9]  }
0x89: {  	s3 =	sld [smem:$0x3FFE];
	_ =	sdelay $0x1  }
0x8a: {  	s1 =	srdreg.scid  }
0x8b: {  	s0 =	sand.u32 $0x1, s1  }
0x8c: {  	s17 =	sshll.u32 s0, $0xA;
	s2 =	sadd.s32 s3, s2  }
0x8d: {  	s2 =	sadd.s32 s2, s17  }
0x8e: {  	[smem:$0x3FC2] =	sst s2  }
0x8f: {  	_ = 	snop  }
0x90: {  	s2 =	sld [smem:$0x3FC7]  }
0x91: {  	s18 =	sld [smem:$0x3FD0];
	(tm) =	ssettm $0x1  }
0x92: {  	s4 =	sld [smem:$0x3FFB];
	_ =	sdelay $0x3  }
0x93: {  	_ =	strace s4  }
0x94: {  	s4 =	sld [smem:$0x3FFC];
	_ =	sdelay $0x3  }
0x95: {  	_ =	strace s4  }
0x96: {  	s4 =	sld [smem:$0x3FFD];
	_ =	sdelay $0x3  }
0x97: {  	_ =	strace s4  }
0x98: {  	_ =	strace $0x8FFFFFFF  }
0x99: {  	s19 =	sld [smem:$0x3FDB];
	_ =	sdelay $0x1  }
0x9a: {  	s5 =	simm.s32 $_scs_section_size  }
0x9b: {  	s6 =	simm.s32 $_size__tile_overlayer_lowered;
	s7 =	simm.s32 $_tile_overlayer_lowered  }
0x9c: {  	s22 =	simm.s32 $0x1BFF;
	s21 =	sshll.u32 s7, $0x1;
	s4 =	sadd.s32 s5, s19  }
0x9d: {  	s8 =	simm.s32 $0x0;
	s20 =	sshll.u32 s6, $0x1;
	s6 =	sadd.s32 s21, s4  }
0x9e: {  	[timem:s8], [sflag:s22] =	dma.local [hbm:s6], s20  }
0x9f: {  	_ =	swait.ge [sflag:s22], s20  }
0xa0: {  	s5 =	ssub.s32 $0x0, s20;
	[sflag:s22] =	ssyncset.done $0x0  }
0xa1: {  	[sflag:s22] =	ssyncadd.s32 s5;
	_ =	sdelay $0x1  }
0xa2: {  	s23 =	simm.s32 $0x1B8B  }
0xa3: {  	_ =	swait.ge [sflag:s23], $0x1  }
0xa4: {  	[sflag:s23] =	ssyncset.done $0x0  }
0xa5: {  	s25 =	simm.s32 $0x1B8E;
	s24 =	sld [smem:$0x3FFE];
	[sflag:s23] =	ssyncadd.s32 $0xFFFFFFFF  }
0xa6: {  	s26 =	simm.s32 $execute0_lowered;
	[smem:$0x3FD2] =	sst s25  }
0xa7: {  	s6 =	sshll.u32 s26, $0x1;
	_ =	strace $0x80000046;
	[dreg:$0x1] =	wrdreg $0xFFFFFFFF  }
0xa8: {  	s28 =	simm.s32 $_size_execute0_lowered;
	s4 =	sadd.s32 s4, s6;
	[dreg:$0x0] =	wrdreg $0x0  }
0xa9: {  	s6 =	sshll.u32 s28, $0x1;
	[dreg:$0x2] =	wrdreg s4  }
0xaa: {  	[dreg:$0x3] =	wrdreg s6  }
0xab: {  	[dreg:$0x4] =	wrdreg $0xC0  }
0xac: {  	_ =	task [dreg:s8], $0x5FFFF  }
0xad: {  	[dreg:$0x1] =	wrdreg $0xFFFFFFFF  }
0xae: {  	[dreg:$0x0] =	wrdreg $0x60  }
0xaf: {  	[dreg:$0x2] =	wrdreg s18  }
0xb0: {  	[dreg:$0x3] =	wrdreg s2  }
0xb1: {  	[dreg:$0x4] =	wrdreg s24  }
0xb2: {  	[dreg:$0x5] =	wrdreg $0x82000  }
0xb3: {  	[dreg:$0x6] =	wrdreg $0x9  }
0xb4: {  	_ =	task.clear_ibuf [dreg:s8], $0x7FFFF;
	_ =	strace $0x90000046  }
0xb5: {  	s29 =	simm.s32 $0x9;
	_ =	strace $0x80000048  }
0xb6: {  	_ =	swait.ge [sflag:s29], $0x1  }
0xb7: {  	[sflag:s29] =	ssyncadd.s32 $0xFFFFFFFF  }
0xb8: {  	_ =	strace $0x90000048  }
0xb9: {  	_ =	sfence  }
0xba: {  	s30 =	sld [smem:$0x0];
	_ =	sdelay $0x2  }
0xbb: {  	s31 =	sshll.u32 s1, $0xD;
	s1 =	sshrl.u32 s1, $0x2  }
0xbc: {  	s3 =	sand.u32 $0x4000, s31;
	s1 =	sadd.s32 s1, s30  }
0xbd: {  	s0 =	sor.u32 s3, s0;
	s1 =	sshll.u32 s1, $0x11  }
0xbe: {  	s0 =	sor.u32 s1, s0  }
0xbf: {  	s0 =	sadd.s32 $0x8F2B, s0  }
0xc0: {  	[sflag:s0] =	ssyncadd.remote.s32 $0x1  }
0xc1: {  	_ =	sfence.sel $0xFFFF  }
0xc2: {  	[dreg:$0x0] =	wrdreg $0xFFFFFFFF;
	(pc) =	sbr.abs _section_cstart, $3  }
0xc3: {  	[dreg:$0x1] =	wrdreg $0xFFFFFFFF  }
0xc4: {  	_ =	task.clear_ibuf [dreg:s8], $0x2FFFF;
	_ =	strace $0x9FFFFFFF  }
0xc5: {  	(tm) =	ssettm $0x7FFFFFFF  }
tec
execute0_lowered:
.L_overlay_start_1:
0x0: {  	(tag) =	ssettag $0x1  }
0x1: {  	s0 =	rddreg [dreg:$0x0]  }
0x2: {  	s10 =	rddreg [dreg:$0x1]  }
0x3: {  	s7 =	rddreg [dreg:$0x2];
	s1 =	srdreg.scid  }
0x4: {  	s3 =	rddreg [dreg:$0x3];
	s26 =	stileid.u32  }
0x5: {  	s4 =	simm.s32 $0x0;
	s18 =	simm.s32 $0x2;
	s19 =	simm.s32 $0x4200  }
0x6: {  	s22 =	simm.s32 $0x5;
	s23 =	simm.s32 $0x0;
	s6 =	smul.u32 $0x13C00, s26  }
0x7: {  	s11 =	sand.u32 $0x1, s1;
	[smem:$0x7FF] =	sst s4;
	s13 =	smul.u32 $0x4F000, s26  }
0x8: {  	s12 =	sshll.u32 s26, $0x1;
	s20 =	sshll.u32 s26, $0x6;
	s5 =	smul.u32 $0x13C000, s11  }
0x9: {  	_ =	strace $0x80000047;
	s9 =	ssub.s32 $0x2, s11;
	s31 =	sadd.s32 s20, s10  }
0xa: {  	s16 =	sshll.u32 s11, $0x5;
	s20 =	sor.u32 $0x1C05, s20;
	s28 =	sshrl.u32 s9, $0x1  }
0xb: {  	s30 =	sshrl.u32 s13, $0x2;
	s13 =	sadd.s32 s16, s31;
	s16 =	simm.s32 $0x80  }
0xc: {  	s6 =	sadd.s32 s6, s5;
	s5 =	sadd.s32 $0x1000, s7;
	s15 =	ssub.s32 s9, s28  }
0xd: {  	s21 =	sadd.s32 s30, s3;
	s8 =	sshrl.u32 s6, $0x3;
	s6 =	sor.u32 s11, s12  }
0xe: {  	s9 =	ssub.s32 $0x9C4, s12;
	s13 =	sadd.s32 $0xC00, s13;
	s29 =	sshll.u32 s6, $0x5  }
0xf: {  	s21 =	sshrl.u32 s21, $0x3;
	s14 =	sadd.s32 s8, s7;
	s7 =	sadd.s32 s10, s29  }
0x10: {  	s10 =	ssub.s32 $0x9A4, s12;
	s11 =	sadd.s32 $0x3800, s14;
	s12 =	smax.u32 s15, $0x1  }
0x11: {  	s14 =	simm.s32 $0x100;
	s15 =	simm.s32 $0x1;
	s8 =	sadd.s32 $0x400, s7  }
.LBB2_1:
0x12: {  	[tilespmem:s4], [sflag:$0x1] =	stream.linear.gather [hbm4b:s7+s4], $0x100, $0x38;
	[tilespmem:$0x1BE00] =	vst v63  }
0x13: {  	_ = 	snop  }
0x14: {  	[tilespmem:s14], [sflag:$0x2] =	stream.linear.gather [hbm4b:s8+s4], $0x100, $0x38;
	[tilespmem:$0x1BE00] =	vst v63  }
0x15: {  	_ =	swait.ge [sflag:s15], $0x100  }
0x16: {  	[sflag:s15] =	ssyncset.done $0x0  }
0x17: {  	s1 =	simm.s32 $0x200;
	[sflag:s15] =	ssyncadd.s32 $0xFFFFFF00  }
0x18: {  	[tilespmem:s1], [sflag:$0x3] =	stream.indirect.gather [hbm4b:s0+s16], $0x80, s4, s16, $0xb8;
	[tilespmem:$0x1BE00] =	vst v63  }
0x19: {  	_ =	swait.ge [sflag:s18], $0x100  }
0x1a: {  	[sflag:s18] =	ssyncset.done $0x0  }
0x1b: {  	[sflag:s18] =	ssyncadd.s32 $0xFFFFFF00  }
0x1c: {  	[tilespmem:s19], [sflag:$0x4] =	stream.indirect.gather [hbm4b:s0+s16], $0x80, s14, s16, $0xb8;
	[tilespmem:$0x1BE00] =	vst v63  }
0x1d: {  	[spmem:s21], [sflag:s20] =	dma.local [hbm:s5], $0x2780  }
0x1e: {  	_ =	swait.ge [sflag:s22], $0x2780  }
0x1f: {  	[sflag:s22] =	ssyncset.done $0x0  }
0x20: {  	p2 =	sle.u32 s9, $0x0;
	[sflag:s22] =	ssyncadd.s32 $0xFFFFD880  }
0x21: {  	s24 =	simm.s32 @!p2 $0x3;
	[bflag:$0x0] =	sbarrier.arrive $0xFFFF  }
0x22: {  	s26 =	sadd.s32 $0x0, s6;
	_ =	swait.ge @!p2 [sflag:s24], $0x4000  }
0x23: {  	s25 =	simm.s32 @!p2 $0x5;
	s28 =	simm.s32 @!p2 $0x80;
	[sflag:s24] =	ssyncset.done @!p2 $0x0  }
0x24: {  	s29 =	simm.s32 @!p2 $0x200;
	s17 =	sadd.s32 $0x40, s26;
	[sflag:s24] =	ssyncadd.s32 @!p2 $0xFFFFC000  }
0x25: {  	[spmem:s3] =	stream.indirect.scatter.add.f32 @!p2 [tilespmem:s29], [sflag:$0x5], $0x80, s28, s28, $0xb8;
	[tilespmem:$0x1BE00] =	vst v63  }
0x26: {  	p0 =	sgt.u32 s17, $0x9C3;
	_ =	swait.ge @!p2 [sflag:s25], $0x4000  }
0x27: {  	p1 =	sle.u32 s10, $0x0;
	s24 =	sadd.s32 @!p0 $0xFFFFFC00, s13;
	[sflag:s25] =	ssyncset.done @!p2 $0x0  }
0x28: {  	s29 =	simm.s32 @!p0 $0x0;
	[sflag:s25] =	ssyncadd.s32 @!p2 $0xFFFFC000;
	s25 =	simm.s32 @!p1 $0x4  }
0x29: {  	[tilespmem:s29], [sflag:$0x1] =	stream.linear.gather @!p0 [hbm4b:s24+s29], $0x100, $0x38;
	[tilespmem:$0x1BE00] =	vst v63  }
0x2a: {  	s31 =	sadd.s32 $0x60, s26;
	_ =	swait.ge @!p1 [sflag:s25], $0x4000  }
0x2b: {  	s26 =	simm.s32 @!p1 $0x4200;
	s30 =	simm.s32 @!p1 $0x180;
	[sflag:s25] =	ssyncset.done @!p1 $0x0  }
0x2c: {  	s28 =	simm.s32 @!p1 $0x80;
	[sflag:s25] =	ssyncadd.s32 @!p1 $0xFFFFC000;
	s25 =	simm.s32 @!p1 $0x5  }
0x2d: {  	[spmem:s3] =	stream.indirect.scatter.add.f32 @!p1 [tilespmem:s26], [sflag:$0x5], $0x80, s30, s28, $0xb8;
	[tilespmem:$0x1BE00] =	vst v63  }
0x2e: {  	p2 =	sgt.u32 s31, $0x9C3;
	_ =	swait.ge @!p1 [sflag:s25], $0x4000  }
0x2f: {  	s24 =	simm.s32 @!p2 $0x0;
	[sflag:s25] =	ssyncset.done @!p1 $0x0  }
0x30: {  	s28 =	simm.s32 @!p2 $0x100;
	s26 =	simm.s32 @!p0 $0x1;
	[sflag:s25] =	ssyncadd.s32 @!p1 $0xFFFFC000  }
0x31: {  	[tilespmem:s28], [sflag:$0x2] =	stream.linear.gather @!p2 [hbm4b:s13+s24], $0x100, $0x38;
	[tilespmem:$0x1BE00] =	vst v63  }
0x32: {  	_ =	swait.ge @!p0 [sflag:s26], $0x100  }
0x33: {  	s30 =	simm.s32 @!p0 $0x80;
	[sflag:s26] =	ssyncset.done @!p0 $0x0  }
0x34: {  	s25 =	simm.s32 $0x40;
	s24 =	simm.s32 @!p0 $0x200;
	[sflag:s26] =	ssyncadd.s32 @!p0 $0xFFFFFF00  }
0x35: {  	[tilespmem:s24], [sflag:$0x3] =	stream.indirect.gather @!p0 [hbm4b:s0+s30], $0x80, s29, s30, $0xb8;
	[tilespmem:$0x1BE00] =	vst v63  }
0x36: {  	p1 =	sle.u32 s9, $0x40;
	s26 =	simm.s32 $0x80;
	s29 =	simm.s32 @!p2 $0x2  }
0x37: {  	s24 =	sadd.s32 $0x800, s13;
	s30 =	simm.s32 @!p2 $0x80;
	_ =	swait.ge @!p2 [sflag:s29], $0x100  }
.LBB2_2:
0x38: {  	s31 =	simm.s32 @!p1 $0x3  }
0x39: {  	[sflag:s29] =	ssyncset.done @!p2 $0x0;
	s1 =	smov.u32 s26;
	s26 =	sadd.s32 $0x40, s26  }
0x3a: {  	p0 =	sne.s32 s26, $0xA00;
	[sflag:s29] =	ssyncadd.s32 @!p2 $0xFFFFFF00;
	s29 =	simm.s32 @!p2 $0x4200  }
0x3b: {  	[tilespmem:s29], [sflag:$0x4] =	stream.indirect.gather @!p2 [hbm4b:s0+s30], $0x80, s28, s30, $0xb8;
	[tilespmem:$0x1BE00] =	vst v63  }
0x3c: {  	s28 =	simm.s32 @!p1 $0x5;
	s29 =	sadd.s32 s25, s6;
	_ =	swait.ge @!p1 [sflag:s31], $0x4000  }
0x3d: {  	s2 =	simm.s32 @!p1 $0x200;
	s30 =	simm.s32 @!p1 $0x80;
	[sflag:s31] =	ssyncset.done @!p1 $0x0  }
0x3e: {  	[sflag:s31] =	ssyncadd.s32 @!p1 $0xFFFFC000;
	s31 =	sadd.s32 $0x40, s29;
	s29 =	sadd.s32 $0x60, s29  }
0x3f: {  	[spmem:s3] =	stream.indirect.scatter.add.f32 @!p1 [tilespmem:s2], [sflag:$0x5], $0x80, s30, s30, $0xb8;
	[tilespmem:$0x1BE00] =	vst v63  }
0x40: {  	p4 =	sge.u32 s25, s10;
	p3 =	sgt.u32 s31, $0x9C3;
	_ =	swait.ge @!p1 [sflag:s28], $0x4000  }
0x41: {  	s2 =	sadd.s32 @!p3 $0xFFFFFC00, s24;
	s30 =	simm.s32 @!p3 $0x0;
	[sflag:s28] =	ssyncset.done @!p1 $0x0  }
0x42: {  	s25 =	smov.u32 s1;
	[sflag:s28] =	ssyncadd.s32 @!p1 $0xFFFFC000;
	s28 =	simm.s32 @!p4 $0x4  }
0x43: {  	[tilespmem:s30], [sflag:$0x1] =	stream.linear.gather @!p3 [hbm4b:s2+s30], $0x100, $0x38;
	[tilespmem:$0x1BE00] =	vst v63  }
0x44: {  	s1 =	simm.s32 @!p4 $0x4200;
	_ =	swait.ge @!p4 [sflag:s28], $0x4000  }
0x45: {  	s31 =	simm.s32 @!p4 $0x180;
	s2 =	simm.s32 @!p4 $0x80;
	[sflag:s28] =	ssyncset.done @!p4 $0x0  }
0x46: {  	s17 =	simm.s32 @!p4 $0x5;
	[sflag:s28] =	ssyncadd.s32 @!p4 $0xFFFFC000  }
0x47: {  	[spmem:s3] =	stream.indirect.scatter.add.f32 @!p4 [tilespmem:s1], [sflag:$0x5], $0x80, s31, s2, $0xb8;
	[tilespmem:$0x1BE00] =	vst v63  }
0x48: {  	p2 =	sgt.u32 s29, $0x9C3;
	_ =	swait.ge @!p4 [sflag:s17], $0x4000  }
0x49: {  	s28 =	simm.s32 @!p2 $0x100;
	s1 =	simm.s32 @!p2 $0x0;
	[sflag:s17] =	ssyncset.done @!p4 $0x0  }
0x4a: {  	s2 =	simm.s32 @!p3 $0x1;
	[sflag:s17] =	ssyncadd.s32 @!p4 $0xFFFFC000  }
0x4b: {  	[tilespmem:s28], [sflag:$0x2] =	stream.linear.gather @!p2 [hbm4b:s24+s1], $0x100, $0x38;
	[tilespmem:$0x1BE00] =	vst v63  }
.Ltmp0:
0x4c: {  	s1 =	simm.s32 @!p3 $0x200;
	_ =	swait.ge @!p3 [sflag:s2], $0x100;
	(pc) =	sbr.rel @p0 .LBB2_2-.Ltmp0, $4  }
0x4d: {  	s29 =	simm.s32 @!p2 $0x2;
	s17 =	simm.s32 @!p3 $0x80;
	[sflag:s2] =	ssyncset.done @!p3 $0x0  }
0x4e: {  	s24 =	sadd.s32 $0x800, s24;
	[sflag:s2] =	ssyncadd.s32 @!p3 $0xFFFFFF00  }
0x4f: {  	[tilespmem:s1], [sflag:$0x3] =	stream.indirect.gather @!p3 [hbm4b:s0+s17], $0x80, s30, s17, $0xb8;
	[tilespmem:$0x1BE00] =	vst v63  }
0x50: {  	p1 =	sge.u32 s25, s9;
	s30 =	simm.s32 @!p2 $0x80;
	_ =	swait.ge @!p2 [sflag:s29], $0x100  }
0x51: {  	[sflag:s29] =	ssyncset.done @!p2 $0x0  }
0x52: {  	s1 =	simm.s32 @!p1 $0x3;
	s2 =	simm.s32 @!p2 $0x4200;
	[sflag:s29] =	ssyncadd.s32 @!p2 $0xFFFFFF00  }
0x53: {  	[tilespmem:s2], [sflag:$0x4] =	stream.indirect.gather @!p2 [hbm4b:s0+s30], $0x80, s28, s30, $0xb8;
	[tilespmem:$0x1BE00] =	vst v63  }
0x54: {  	s17 =	sadd.s32 s25, s6;
	_ =	swait.ge @!p1 [sflag:s1], $0x4000  }
0x55: {  	s26 =	simm.s32 @!p1 $0x80;
	s2 =	simm.s32 @!p1 $0x5;
	[sflag:s1] =	ssyncset.done @!p1 $0x0  }
0x56: {  	s28 =	simm.s32 @!p1 $0x200;
	s30 =	sadd.s32 $0x40, s17;
	[sflag:s1] =	ssyncadd.s32 @!p1 $0xFFFFC000  }
0x57: {  	[spmem:s3] =	stream.indirect.scatter.add.f32 @!p1 [tilespmem:s28], [sflag:$0x5], $0x80, s26, s26, $0xb8;
	[tilespmem:$0x1BE00] =	vst v63  }
0x58: {  	p0 =	sgt.u32 s30, $0x9C3;
	_ =	swait.ge @!p1 [sflag:s2], $0x4000  }
0x59: {  	p2 =	sge.u32 s25, s10;
	s25 =	simm.s32 @!p0 $0x0;
	[sflag:s2] =	ssyncset.done @!p1 $0x0  }
0x5a: {  	s1 =	sadd.s32 @!p0 $0xFFFFFC00, s24;
	[sflag:s2] =	ssyncadd.s32 @!p1 $0xFFFFC000;
	s2 =	simm.s32 @!p2 $0x4  }
0x5b: {  	[tilespmem:s25], [sflag:$0x1] =	stream.linear.gather @!p0 [hbm4b:s1+s25], $0x100, $0x38;
	[tilespmem:$0x1BE00] =	vst v63  }
0x5c: {  	s31 =	sadd.s32 $0x60, s17;
	_ =	swait.ge @!p2 [sflag:s2], $0x4000  }
0x5d: {  	s17 =	simm.s32 @!p2 $0x4200;
	s26 =	simm.s32 @!p2 $0x80;
	[sflag:s2] =	ssyncset.done @!p2 $0x0  }
0x5e: {  	s28 =	simm.s32 @!p2 $0x180;
	[sflag:s2] =	ssyncadd.s32 @!p2 $0xFFFFC000;
	s2 =	simm.s32 @!p2 $0x5  }
0x5f: {  	[spmem:s3] =	stream.indirect.scatter.add.f32 @!p2 [tilespmem:s17], [sflag:$0x5], $0x80, s28, s26, $0xb8;
	[tilespmem:$0x1BE00] =	vst v63  }
0x60: {  	p1 =	sgt.u32 s31, $0x9C3;
	_ =	swait.ge @!p2 [sflag:s2], $0x4000  }
0x61: {  	s1 =	simm.s32 @!p1 $0x0;
	[sflag:s2] =	ssyncset.done @!p2 $0x0  }
0x62: {  	s17 =	simm.s32 @!p1 $0x100;
	[sflag:s2] =	ssyncadd.s32 @!p2 $0xFFFFC000;
	s2 =	simm.s32 @!p0 $0x1  }
0x63: {  	[tilespmem:s17], [sflag:$0x2] =	stream.linear.gather @!p1 [hbm4b:s24+s1], $0x100, $0x38;
	[tilespmem:$0x1BE00] =	vst v63  }
0x64: {  	_ =	swait.ge @!p0 [sflag:s2], $0x100  }
0x65: {  	s26 =	simm.s32 @!p1 $0x2;
	[sflag:s2] =	ssyncset.done @!p0 $0x0  }
0x66: {  	s1 =	simm.s32 @!p0 $0x200;
	s24 =	simm.s32 @!p0 $0x80;
	[sflag:s2] =	ssyncadd.s32 @!p0 $0xFFFFFF00  }
0x67: {  	[tilespmem:s1], [sflag:$0x3] =	stream.indirect.gather @!p0 [hbm4b:s0+s24], $0x80, s25, s24, $0xb8;
	[tilespmem:$0x1BE00] =	vst v63  }
0x68: {  	_ =	swait.ge @!p1 [sflag:s26], $0x100  }
0x69: {  	s23 =	sadd.s32 $0x1, s23;
	s2 =	simm.s32 @!p1 $0x4200;
	[sflag:s26] =	ssyncset.done @!p1 $0x0  }
0x6a: {  	s1 =	simm.s32 @!p1 $0x80;
	p0 =	sne.s32 s23, s12;
	[sflag:s26] =	ssyncadd.s32 @!p1 $0xFFFFFF00  }
0x6b: {  	[tilespmem:s2], [sflag:$0x4] =	stream.indirect.gather @!p1 [hbm4b:s0+s1], $0x80, s17, s1, $0xb8;
	[tilespmem:$0x1BE00] =	vst v63  }
.Ltmp1:
0x6c: {  	[bflag:$0x0] =	sbarrier.arrive $0xFFFF;
	(pc) =	sbr.rel @p0 .LBB2_1-.Ltmp1, $4  }
0x6d: {  	[hbm:s11], [sflag:s20] =	dma.local [spmem:s21], $0x2780  }
0x6e: {  	_ =	swait.ge [sflag:s22], $0x2780  }
0x6f: {  	[sflag:s22] =	ssyncset.done $0x0  }
0x70: {  	[sflag:s22] =	ssyncadd.s32 $0xFFFFD880  }
0x71: {  	_ =	sfence.sel $0x180000  }
0x72: {  	[bflag:$0x0] =	sbarrier.arrive $0xFFFF  }
0x73: {  	_ =	strace $0x90000047  }
0x74: {  	s0 =	stileid.u32;
	[bflag:$0x2] =	sbarrier.arrive $0xFFFF  }
0x75: {  	p0 =	sne.s32 s0, $0x0;
	s0 =	rddreg [dreg:$0x4]  }
0x76: {  	s0 =	sadd.s32 @!p0 $0x100000, s0  }
0x77: {  	[sflag:s0] =	ssyncadd.tile.s32 @!p0 $0x1;
	_ =	shalt  }
.Lfunc_end2:
_tile_overlayer_lowered:
.L_overlay_start_2:
0x78: {  	(tag) =	ssettag $0x2  }
0x79: {  	s0 =	rddreg [dreg:$0x0];
	s2 =	stileid.u32  }
0x7a: {  	s1 =	rddreg [dreg:$0x1];
	p0 =	sne.s32 s2, $0x0  }
0x7b: {  	s3 =	rddreg [dreg:$0x2];
	[bflag:$0x3] =	sbarrier.arrive $0xFFFF;
	s2 =	simm.s32 @!p0 $0x1C05  }
0x7c: {  	[timem:s3], [sflag:s2] =	dma.local @!p0 [hbm:s0], s1  }
0x7d: {  	s0 =	simm.s32 @!p0 $0x5  }
0x7e: {  	_ =	swait.ge @!p0 [sflag:s0], s1  }
0x7f: {  	s1 =	ssub.s32 @!p0 $0x0, s1;
	[sflag:s0] =	ssyncset.done @!p0 $0x0  }
0x80: {  	[sflag:s0] =	ssyncadd.s32 @!p0 s1  }
0x81: {  	[bflag:$0x3] =	sbarrier.arrive $0xFFFF  }
0x82: {  	_ =	shalt  }

</sc_bundles>
